<compile_context>
chip_gen: v7x
topology: tpu7x:2x2x1
jax: 0.10.2.dev20260603
libtpu: 0.0.44.dev20260713+nightly
codegen_flags: <defaults>
</compile_context>

<pallas_src>
import jax
import jax.numpy as jnp
from jax import lax
from jax.experimental import pallas as pl
from jax.experimental.pallas import tpu as pltpu
from jax.experimental.pallas import tpu_sc as plsc

_VOCAB = 1000
_EMBED_DIM = 128
_BATCH = 4096
_HIST_LEN = 200
_NUM_IDX = _BATCH * _HIST_LEN
_WINDOW = 256


def kernel(input_ids, table):
    idx = input_ids.reshape(1, _NUM_IDX).astype(jnp.int32)

    mesh = plsc.VectorSubcoreMesh(
        core_axis_name="core", subcore_axis_name="subcore"
    )

    @pl.kernel(
        out_type=jax.ShapeDtypeStruct((_NUM_IDX, _EMBED_DIM), table.dtype),
        mesh=mesh,
        scratch_types=[
            pltpu.VMEM_SHARED((_VOCAB, _EMBED_DIM), jnp.float32),
            pltpu.SemaphoreType.DMA,
        ],
    )
    def sc_gather(table_hbm, idx_hbm, out_hbm, table_sh, sem):
        sid = lax.axis_index("subcore")

        @pl.when(sid < 5)
        def _():
            rows = _VOCAB // 5
            pltpu.async_copy(
                table_hbm.at[pl.ds(sid * rows, rows)],
                table_sh.at[pl.ds(sid * rows, rows)],
                sem,
            ).wait()

        plsc.subcore_barrier()

        def body(i_vmem, o_vmem):
            pltpu.sync_copy(table_sh.at[i_vmem.at[0]], o_vmem)

        pltpu.emit_pipeline(
            body,
            grid=(_NUM_IDX // _WINDOW,),
            in_specs=[
                pl.BlockSpec((1, _WINDOW), index_map=lambda i: (0, i))
            ],
            out_specs=[
                pl.BlockSpec((_WINDOW, _EMBED_DIM), index_map=lambda i: (i, 0))
            ],
            core_axis_name=("core", "subcore"),
            dimension_semantics=(pltpu.PARALLEL,),
        )(idx_hbm, out_hbm)

    out = sc_gather(table, idx)
    return out.reshape(_BATCH, _HIST_LEN, _EMBED_DIM)

# --- scband reference (transcript-rebuilt; emitter-appended) ---
"""Pipeline reference for scband-embedding-vocabulary-54150947668683 (READ-ONLY COPY).

The authoritative reference and input builder live on the scoring server;
editing this copy changes nothing except your own understanding.
"""

import jax, jax.numpy as jnp
import numpy as np

VOCAB = 1000
EMBED_DIM = 128
BATCH = 4096
HIST_LEN = 200


def setup_inputs(seed: int = 0) -> dict:
    key = jax.random.key(seed)
    k1, k2 = jax.random.split(key)
    input_ids = jax.random.randint(k1, (BATCH, HIST_LEN), 0, VOCAB)
    # nn.Embedding weights initialized ~ N(0, 1)
    table = jax.random.normal(k2, (VOCAB, EMBED_DIM), dtype=jnp.float32)
    return {"input_ids": input_ids, "table": table}


def reference(input_ids, table):
    # EmbeddingVocabulary.forward: words_embeddings = self.word_embeddings(input_ids)
    words_embeddings = jnp.take(table, input_ids, axis=0)
    return words_embeddings

if __name__ == "__main__":
    import jax
    _d = setup_inputs()
    print(jax.jit(kernel)(*tuple(_d.values())))

</pallas_src>

<mosaic_0001>
#map = affine_map<(d0, d1) -> (0, 0)>
module attributes {stable_mosaic.version = 14 : i64} {
  func.func @sc_gather(%arg0: i32, %arg1: i32, %arg2: memref<1000x128xf32, #tpu.memory_space<hbm>>, %arg3: memref<1x819200xi32, #tpu.memory_space<hbm>>, %arg4: memref<819200x128xf32, #tpu.memory_space<hbm>>, %arg5: memref<1000x128xf32, #tpu.memory_space<vmem_shared>>, %arg6: memref<!tpu.dma_semaphore, #tpu.memory_space<semaphore_mem>>) attributes {dimension_semantics = [#tpu.dimension_semantics<core_parallel>, #tpu.dimension_semantics<subcore_parallel>], iteration_bounds = array<i64: 2, 16>, scalar_prefetch = 0 : i64, scratch_operands = 2 : i64, tpu.core_type = #tpu.core_type<sc_vector_subcore>, window_params = [{transform_indices = #map}, {transform_indices = #map}, {transform_indices = #map}]} {
    %lt3A = arith.constant 5 : i32
    %lt3A_0 = arith.cmpi slt, %arg1, %lt3A : i32
    %convert_element_type3A = arith.extui %lt3A_0 : i1 to i32
    %cond3A = arith.constant 0 : i32
    %cond3A_1 = arith.cmpi ne, %convert_element_type3A, %cond3A : i32
    scf.if %cond3A_1 {
      %mul3A_9 = arith.constant 200 : i32
      %mul3A_10 = arith.muli %arg1, %mul3A_9 : i32
      %mul3A_11 = arith.constant 200 : i32
      %mul3A_12 = arith.muli %arg1, %mul3A_11 : i32
      %dma_start3A = arith.constant 0 : i32
      %dma_start3A_13 = tpu.memref_slice %arg5[%mul3A_12, %dma_start3A] : memref<1000x128xf32, #tpu.memory_space<vmem_shared>> -> memref<200x128xf32, #tpu.memory_space<vmem_shared>>
      %dma_start3A_14 = arith.constant 0 : i32
      %dma_start3A_15 = tpu.memref_slice %arg2[%mul3A_10, %dma_start3A_14] : memref<1000x128xf32, #tpu.memory_space<hbm>> -> memref<200x128xf32, #tpu.memory_space<hbm>>
      tpu.enqueue_dma source(%dma_start3A_15 : memref<200x128xf32, #tpu.memory_space<hbm>>) target(%dma_start3A_13 : memref<200x128xf32, #tpu.memory_space<vmem_shared>>) target_semaphore(%arg6 : memref<!tpu.dma_semaphore, #tpu.memory_space<semaphore_mem>>)
      %dma_wait3A = arith.constant 0 : i32
      %dma_wait3A_16 = tpu.memref_slice %arg5[%mul3A_12, %dma_wait3A] : memref<1000x128xf32, #tpu.memory_space<vmem_shared>> -> memref<200x128xf32, #tpu.memory_space<vmem_shared>>
      %dma_wait3A_17 = arith.constant 0 : i32
      %dma_wait3A_18 = tpu.memref_slice %arg2[%mul3A_10, %dma_wait3A_17] : memref<1000x128xf32, #tpu.memory_space<hbm>> -> memref<200x128xf32, #tpu.memory_space<hbm>>
      tpu.wait_dma2 semaphore(%arg6 : memref<!tpu.dma_semaphore, #tpu.memory_space<semaphore_mem>>) src(%dma_wait3A_18 : memref<200x128xf32, #tpu.memory_space<hbm>>) dst(%dma_wait3A_16 : memref<200x128xf32, #tpu.memory_space<vmem_shared>>)
    } else {
    }
    %barrier3A = arith.constant 0 : index
    tpu.barrier barrier_id(%barrier3A)
    %mul3A = arith.constant 1 : i32
    %mul3A_2 = arith.muli %arg1, %mul3A : i32
    %add3A = arith.constant 0 : i32
    %add3A_3 = arith.addi %add3A, %mul3A_2 : i32
    %mul3A_4 = arith.constant 16 : i32
    %mul3A_5 = arith.muli %arg0, %mul3A_4 : i32
    %add3A_6 = arith.addi %add3A_3, %mul3A_5 : i32
    %mul3A_7 = arith.constant 100 : i32
    %mul3A_8 = arith.muli %add3A_6, %mul3A_7 : i32
    "tpu.region"() ({
      %run_scoped3A = memref.alloca() : memref<2x1x256xi32, #tpu.memory_space<vmem>>
      %run_scoped3A_9 = tpu.sem_alloc : memref<2x!tpu.dma_semaphore, #tpu.memory_space<semaphore_mem>>
      %run_scoped3A_10 = memref.alloca() : memref<2x256x128xf32, #tpu.memory_space<vmem>>
      %run_scoped3A_11 = tpu.sem_alloc : memref<2x!tpu.dma_semaphore, #tpu.memory_space<semaphore_mem>>
      %add3A_12 = arith.constant 0 : i32
      %add3A_13 = arith.addi %add3A_12, %mul3A_8 : i32
      %select_n3A = arith.constant true
      %select_n3A_14 = arith.constant 0 : i32
      %select_n3A_15 = arith.constant -1 : i32
      %select_n3A_16 = arith.select %select_n3A, %select_n3A_15, %select_n3A_14 : i32
      %eq3A = arith.constant -1 : i32
      %eq3A_17 = arith.cmpi eq, %select_n3A_16, %eq3A : i32
      %select_n3A_18 = arith.constant 99 : i32
      %select_n3A_19 = arith.select %eq3A_17, %select_n3A_18, %select_n3A_16 : i32
      %add3A_20 = arith.addi %select_n3A_19, %mul3A_8 : i32
      %select_n3A_21 = arith.constant true
      %select_n3A_22 = arith.constant 0 : i32
      %select_n3A_23 = arith.constant 1 : i32
      %select_n3A_24 = arith.select %select_n3A_21, %select_n3A_23, %select_n3A_22 : i32
      %eq3A_25 = arith.constant 100 : i32
      %eq3A_26 = arith.cmpi eq, %select_n3A_24, %eq3A_25 : i32
      %select_n3A_27 = arith.constant 0 : i32
      %select_n3A_28 = arith.select %eq3A_26, %select_n3A_27, %select_n3A_24 : i32
      %add3A_29 = arith.addi %select_n3A_28, %mul3A_8 : i32
      %add3A_30 = arith.constant 1 : i32
      %add3A_31 = arith.addi %select_n3A_28, %add3A_30 : i32
      %select_n3A_32 = arith.constant true
      %select_n3A_33 = arith.select %select_n3A_32, %add3A_31, %select_n3A_28 : i32
      %eq3A_34 = arith.constant 100 : i32
      %eq3A_35 = arith.cmpi eq, %select_n3A_33, %eq3A_34 : i32
      %select_n3A_36 = arith.constant 0 : i32
      %select_n3A_37 = arith.select %eq3A_35, %select_n3A_36, %select_n3A_33 : i32
      %add3A_38 = arith.addi %select_n3A_37, %mul3A_8 : i32
      "tpu.trace_start"() <{level = 10 : i32, message = "ep_initialize_0"}> : () -> ()
      %rem3A = arith.constant 0 : i32
      %rem3A_39 = arith.constant 2 : i32
      %rem3A_40 = arith.remui %rem3A, %rem3A_39 : i32
      %mul3A_41 = arith.constant 256 : i32
      %mul3A_42 = arith.muli %mul3A_41, %add3A_13 : i32
      %dma_start3A = arith.constant 0 : i32
      %dma_start3A_43 = arith.constant 0 : i32
      %dma_start3A_44 = tpu.memref_slice %run_scoped3A[%rem3A_40, %dma_start3A, %dma_start3A_43] : memref<2x1x256xi32, #tpu.memory_space<vmem>> -> memref<1x1x256xi32, #tpu.memory_space<vmem>>
      %dma_start3A_45 = tpu.memref_squeeze %dma_start3A_44 : memref<1x1x256xi32, #tpu.memory_space<vmem>> -> memref<1x256xi32, #tpu.memory_space<vmem>>
      %dma_start3A_46 = arith.constant 0 : i32
      %dma_start3A_47 = tpu.memref_slice %arg3[%dma_start3A_46, %mul3A_42] : memref<1x819200xi32, #tpu.memory_space<hbm>> -> memref<1x256xi32, #tpu.memory_space<hbm>>
      %dma_start3A_48 = tpu.memref_slice %run_scoped3A_9[%rem3A_40] : memref<2x!tpu.dma_semaphore, #tpu.memory_space<semaphore_mem>> -> memref<1x!tpu.dma_semaphore, #tpu.memory_space<semaphore_mem>>
      %dma_start3A_49 = tpu.memref_squeeze %dma_start3A_48 : memref<1x!tpu.dma_semaphore, #tpu.memory_space<semaphore_mem>> -> memref<!tpu.dma_semaphore, #tpu.memory_space<semaphore_mem>>
      %dma_start3A_50 = arith.constant 0 : i32
      %dma_start3A_51 = arith.constant 0 : i32
      %dma_start3A_52 = tpu.memref_slice %run_scoped3A[%rem3A_40, %dma_start3A_50, %dma_start3A_51] : memref<2x1x256xi32, #tpu.memory_space<vmem>> -> memref<1x1x256xi32, #tpu.memory_space<vmem>>
      %dma_start3A_53 = tpu.memref_squeeze %dma_start3A_52 : memref<1x1x256xi32, #tpu.memory_space<vmem>> -> memref<1x256xi32, #tpu.memory_space<vmem>>
      %dma_start3A_54 = arith.constant 0 : i32
      %dma_start3A_55 = tpu.memref_slice %arg3[%dma_start3A_54, %mul3A_42] : memref<1x819200xi32, #tpu.memory_space<hbm>> -> memref<1x256xi32, #tpu.memory_space<hbm>>
      tpu.enqueue_dma source(%dma_start3A_55 : memref<1x256xi32, #tpu.memory_space<hbm>>) target(%dma_start3A_53 : memref<1x256xi32, #tpu.memory_space<vmem>>) target_semaphore(%dma_start3A_49 : memref<!tpu.dma_semaphore, #tpu.memory_space<semaphore_mem>>)
      %add3A_56 = arith.constant 0 : i32
      %add3A_57 = arith.constant 1 : i32
      %add3A_58 = arith.addi %add3A_56, %add3A_57 : i32
      %select_n3A_59 = arith.constant true
      %select_n3A_60 = arith.constant 0 : i32
      %select_n3A_61 = arith.select %select_n3A_59, %add3A_58, %select_n3A_60 : i32
      "tpu.trace_stop"() : () -> ()
      %scan3A = arith.constant 0 : i32
      %scan3A_62 = arith.constant 0 : i32
      %scan3A_63 = arith.constant 0 : i32
      %scan3A_64 = arith.constant 0 : i32
      %scan3A_65 = arith.constant 0 : i32
      %scan3A_66 = arith.constant 100 : i32
      %scan3A_67 = arith.addi %scan3A_65, %scan3A_66 : i32
      %scan3A_68 = arith.constant 1 : i32
      %scan3A_69:5 = scf.for %scan3A_123 = %scan3A_65 to %scan3A_67 step %scan3A_68 iter_args(%scan3A_124 = %select_n3A_61, %scan3A_125 = %scan3A, %scan3A_126 = %scan3A_62, %scan3A_127 = %scan3A_63, %scan3A_128 = %scan3A_64) -> (i32, i32, i32, i32, i32)  : i32 {
        %eq3A_129 = arith.constant 0 : i32
        %eq3A_130 = arith.cmpi eq, %scan3A_123, %eq3A_129 : i32
        %eq3A_131 = arith.constant 99 : i32
        %eq3A_132 = arith.cmpi eq, %scan3A_123, %eq3A_131 : i32
        %add3A_133 = arith.addi %scan3A_128, %mul3A_8 : i32
        %sub3A_134 = arith.constant 1 : i32
        %sub3A_135 = arith.subi %scan3A_128, %sub3A_134 : i32
        %select_n3A_136 = arith.constant true
        %select_n3A_137 = arith.select %select_n3A_136, %sub3A_135, %scan3A_128 : i32
        %eq3A_138 = arith.constant -1 : i32
        %eq3A_139 = arith.cmpi eq, %select_n3A_137, %eq3A_138 : i32
        %select_n3A_140 = arith.constant 99 : i32
        %select_n3A_141 = arith.select %eq3A_139, %select_n3A_140, %select_n3A_137 : i32
        %add3A_142 = arith.addi %select_n3A_141, %mul3A_8 : i32
        %add3A_143 = arith.constant 1 : i32
        %add3A_144 = arith.addi %scan3A_128, %add3A_143 : i32
        %select_n3A_145 = arith.constant true
        %select_n3A_146 = arith.select %select_n3A_145, %add3A_144, %scan3A_128 : i32
        %eq3A_147 = arith.constant 100 : i32
        %eq3A_148 = arith.cmpi eq, %select_n3A_146, %eq3A_147 : i32
        %select_n3A_149 = arith.constant 0 : i32
        %select_n3A_150 = arith.select %eq3A_148, %select_n3A_149, %select_n3A_146 : i32
        %add3A_151 = arith.addi %select_n3A_150, %mul3A_8 : i32
        %add3A_152 = arith.constant 1 : i32
        %add3A_153 = arith.addi %select_n3A_150, %add3A_152 : i32
        %select_n3A_154 = arith.constant true
        %select_n3A_155 = arith.select %select_n3A_154, %add3A_153, %select_n3A_150 : i32
        %eq3A_156 = arith.constant 100 : i32
        %eq3A_157 = arith.cmpi eq, %select_n3A_155, %eq3A_156 : i32
        %select_n3A_158 = arith.constant 0 : i32
        %select_n3A_159 = arith.select %eq3A_157, %select_n3A_158, %select_n3A_155 : i32
        %add3A_160 = arith.addi %select_n3A_159, %mul3A_8 : i32
        %ne3A = arith.cmpi ne, %add3A_133, %add3A_151 : i32
        %or3A = arith.constant false
        %or3A_161 = arith.ori %or3A, %ne3A : i1
        %ge3A = arith.constant 99 : i32
        %ge3A_162 = arith.cmpi sge, %scan3A_123, %ge3A : i32
        %not3A = arith.constant true
        %not3A_163 = arith.xori %ge3A_162, %not3A : i1
        %and3A = arith.andi %or3A_161, %not3A_163 : i1
        %convert_element_type3A_164 = arith.extui %and3A : i1 to i32
        %cond3A_165 = arith.constant 0 : i32
        %cond3A_166 = arith.cmpi ne, %convert_element_type3A_164, %cond3A_165 : i32
        scf.if %cond3A_166 {
          "tpu.trace_start"() <{level = 10 : i32, message = "ep_copy_in"}> : () -> ()
          %rem3A_268 = arith.constant 2 : i32
          %rem3A_269 = arith.remui %scan3A_124, %rem3A_268 : i32
          %mul3A_270 = arith.constant 256 : i32
          %mul3A_271 = arith.muli %mul3A_270, %add3A_151 : i32
          %dma_start3A_272 = arith.constant 0 : i32
          %dma_start3A_273 = arith.constant 0 : i32
          %dma_start3A_274 = tpu.memref_slice %run_scoped3A[%rem3A_269, %dma_start3A_272, %dma_start3A_273] : memref<2x1x256xi32, #tpu.memory_space<vmem>> -> memref<1x1x256xi32, #tpu.memory_space<vmem>>
          %dma_start3A_275 = tpu.memref_squeeze %dma_start3A_274 : memref<1x1x256xi32, #tpu.memory_space<vmem>> -> memref<1x256xi32, #tpu.memory_space<vmem>>
          %dma_start3A_276 = arith.constant 0 : i32
          %dma_start3A_277 = tpu.memref_slice %arg3[%dma_start3A_276, %mul3A_271] : memref<1x819200xi32, #tpu.memory_space<hbm>> -> memref<1x256xi32, #tpu.memory_space<hbm>>
          %dma_start3A_278 = tpu.memref_slice %run_scoped3A_9[%rem3A_269] : memref<2x!tpu.dma_semaphore, #tpu.memory_space<semaphore_mem>> -> memref<1x!tpu.dma_semaphore, #tpu.memory_space<semaphore_mem>>
          %dma_start3A_279 = tpu.memref_squeeze %dma_start3A_278 : memref<1x!tpu.dma_semaphore, #tpu.memory_space<semaphore_mem>> -> memref<!tpu.dma_semaphore, #tpu.memory_space<semaphore_mem>>
          %dma_start3A_280 = arith.constant 0 : i32
          %dma_start3A_281 = arith.constant 0 : i32
          %dma_start3A_282 = tpu.memref_slice %run_scoped3A[%rem3A_269, %dma_start3A_280, %dma_start3A_281] : memref<2x1x256xi32, #tpu.memory_space<vmem>> -> memref<1x1x256xi32, #tpu.memory_space<vmem>>
          %dma_start3A_283 = tpu.memref_squeeze %dma_start3A_282 : memref<1x1x256xi32, #tpu.memory_space<vmem>> -> memref<1x256xi32, #tpu.memory_space<vmem>>
          %dma_start3A_284 = arith.constant 0 : i32
          %dma_start3A_285 = tpu.memref_slice %arg3[%dma_start3A_284, %mul3A_271] : memref<1x819200xi32, #tpu.memory_space<hbm>> -> memref<1x256xi32, #tpu.memory_space<hbm>>
          tpu.enqueue_dma source(%dma_start3A_285 : memref<1x256xi32, #tpu.memory_space<hbm>>) target(%dma_start3A_283 : memref<1x256xi32, #tpu.memory_space<vmem>>) target_semaphore(%dma_start3A_279 : memref<!tpu.dma_semaphore, #tpu.memory_space<semaphore_mem>>)
          "tpu.trace_stop"() : () -> ()
        } else {
        }
        %and3A_167 = arith.constant true
        %and3A_168 = arith.andi %and3A, %and3A_167 : i1
        %add3A_169 = arith.constant 1 : i32
        %add3A_170 = arith.addi %scan3A_124, %add3A_169 : i32
        %select_n3A_171 = arith.select %and3A_168, %add3A_170, %scan3A_124 : i32
        %ne3A_172 = arith.cmpi ne, %add3A_133, %add3A_151 : i32
        %or3A_173 = arith.constant false
        %or3A_174 = arith.ori %or3A_173, %ne3A_172 : i1
        %or3A_175 = arith.constant false
        %or3A_176 = arith.ori %or3A_174, %or3A_175 : i1
        %ge3A_177 = arith.constant 99 : i32
        %ge3A_178 = arith.cmpi sge, %scan3A_123, %ge3A_177 : i32
        %not3A_179 = arith.constant true
        %not3A_180 = arith.xori %ge3A_178, %not3A_179 : i1
        %and3A_181 = arith.andi %or3A_176, %not3A_180 : i1
        %ne3A_182 = arith.cmpi ne, %add3A_133, %add3A_142 : i32
        %or3A_183 = arith.constant false
        %or3A_184 = arith.ori %or3A_183, %ne3A_182 : i1
        %or3A_185 = arith.ori %or3A_184, %eq3A_130 : i1
        %convert_element_type3A_186 = arith.extui %or3A_185 : i1 to i32
        %cond3A_187 = arith.constant 0 : i32
        %cond3A_188 = arith.cmpi ne, %convert_element_type3A_186, %cond3A_187 : i32
        scf.if %cond3A_188 {
          "tpu.trace_start"() <{level = 10 : i32, message = "ep_wait_in"}> : () -> ()
          %mul3A_268 = arith.constant 256 : i32
          %mul3A_269 = arith.muli %mul3A_268, %add3A_133 : i32
          %rem3A_270 = arith.constant 2 : i32
          %rem3A_271 = arith.remui %scan3A_125, %rem3A_270 : i32
          %dma_wait3A_272 = arith.constant 0 : i32
          %dma_wait3A_273 = arith.constant 0 : i32
          %dma_wait3A_274 = tpu.memref_slice %run_scoped3A[%rem3A_271, %dma_wait3A_272, %dma_wait3A_273] : memref<2x1x256xi32, #tpu.memory_space<vmem>> -> memref<1x1x256xi32, #tpu.memory_space<vmem>>
          %dma_wait3A_275 = tpu.memref_squeeze %dma_wait3A_274 : memref<1x1x256xi32, #tpu.memory_space<vmem>> -> memref<1x256xi32, #tpu.memory_space<vmem>>
          %dma_wait3A_276 = arith.constant 0 : i32
          %dma_wait3A_277 = tpu.memref_slice %arg3[%dma_wait3A_276, %mul3A_269] : memref<1x819200xi32, #tpu.memory_space<hbm>> -> memref<1x256xi32, #tpu.memory_space<hbm>>
          %dma_wait3A_278 = tpu.memref_slice %run_scoped3A_9[%rem3A_271] : memref<2x!tpu.dma_semaphore, #tpu.memory_space<semaphore_mem>> -> memref<1x!tpu.dma_semaphore, #tpu.memory_space<semaphore_mem>>
          %dma_wait3A_279 = tpu.memref_squeeze %dma_wait3A_278 : memref<1x!tpu.dma_semaphore, #tpu.memory_space<semaphore_mem>> -> memref<!tpu.dma_semaphore, #tpu.memory_space<semaphore_mem>>
          %dma_wait3A_280 = arith.constant 0 : i32
          %dma_wait3A_281 = arith.constant 0 : i32
          %dma_wait3A_282 = tpu.memref_slice %run_scoped3A[%rem3A_271, %dma_wait3A_280, %dma_wait3A_281] : memref<2x1x256xi32, #tpu.memory_space<vmem>> -> memref<1x1x256xi32, #tpu.memory_space<vmem>>
          %dma_wait3A_283 = tpu.memref_squeeze %dma_wait3A_282 : memref<1x1x256xi32, #tpu.memory_space<vmem>> -> memref<1x256xi32, #tpu.memory_space<vmem>>
          %dma_wait3A_284 = arith.constant 0 : i32
          %dma_wait3A_285 = tpu.memref_slice %arg3[%dma_wait3A_284, %mul3A_269] : memref<1x819200xi32, #tpu.memory_space<hbm>> -> memref<1x256xi32, #tpu.memory_space<hbm>>
          tpu.wait_dma2 semaphore(%dma_wait3A_279 : memref<!tpu.dma_semaphore, #tpu.memory_space<semaphore_mem>>) src(%dma_wait3A_285 : memref<1x256xi32, #tpu.memory_space<hbm>>) dst(%dma_wait3A_283 : memref<1x256xi32, #tpu.memory_space<vmem>>)
          "tpu.trace_stop"() : () -> ()
        } else {
        }
        %ne3A_189 = arith.cmpi ne, %add3A_133, %add3A_142 : i32
        %or3A_190 = arith.constant false
        %or3A_191 = arith.ori %or3A_190, %ne3A_189 : i1
        %or3A_192 = arith.constant false
        %or3A_193 = arith.ori %or3A_191, %or3A_192 : i1
        %or3A_194 = arith.ori %or3A_193, %eq3A_130 : i1
        %convert_element_type3A_195 = arith.extui %or3A_194 : i1 to i32
        %cond3A_196 = arith.constant 0 : i32
        %cond3A_197 = arith.cmpi ne, %convert_element_type3A_195, %cond3A_196 : i32
        scf.if %cond3A_197 {
        } else {
        }
        %rem3A_198 = arith.constant 2 : i32
        %rem3A_199 = arith.remui %scan3A_125, %rem3A_198 : i32
        %rem3A_200 = arith.constant 2 : i32
        %rem3A_201 = arith.remui %scan3A_126, %rem3A_200 : i32
        %run_scoped3A_202 = arith.constant 0 : i32
        "tpu.trace_start"() <{level = 10 : i32, message = "ep_run_kernel"}> : () -> ()
        "tpu.region"() ({
          %run_scoped3A_268 = tpu.sem_alloc : memref<!tpu.dma_semaphore, #tpu.memory_space<semaphore_mem>>
          %dma_start3A_269 = arith.constant 0 : i32
          %dma_start3A_270 = arith.constant 0 : i32
          %dma_start3A_271 = tpu.memref_slice %run_scoped3A_10[%rem3A_201, %dma_start3A_269, %dma_start3A_270] : memref<2x256x128xf32, #tpu.memory_space<vmem>> -> memref<1x256x128xf32, #tpu.memory_space<vmem>>
          %dma_start3A_272 = tpu.memref_squeeze %dma_start3A_271 : memref<1x256x128xf32, #tpu.memory_space<vmem>> -> memref<256x128xf32, #tpu.memory_space<vmem>>
          %dma_start3A_273 = arith.constant 0 : i32
          %dma_start3A_274 = arith.constant 0 : i32
          %dma_start3A_275 = tpu.memref_slice %run_scoped3A[%rem3A_199, %dma_start3A_273, %dma_start3A_274] : memref<2x1x256xi32, #tpu.memory_space<vmem>> -> memref<1x1x256xi32, #tpu.memory_space<vmem>>
          %dma_start3A_276 = tpu.memref_squeeze %dma_start3A_275 : memref<1x1x256xi32, #tpu.memory_space<vmem>> -> memref<1x256xi32, #tpu.memory_space<vmem>>
          %dma_start3A_277 = arith.constant 0 : i32
          %dma_start3A_278 = tpu.memref_slice %dma_start3A_276[%run_scoped3A_202, %dma_start3A_277] : memref<1x256xi32, #tpu.memory_space<vmem>> -> memref<1x256xi32, #tpu.memory_space<vmem>>
          %dma_start3A_279 = tpu.memref_squeeze %dma_start3A_278 : memref<1x256xi32, #tpu.memory_space<vmem>> -> memref<256xi32, #tpu.memory_space<vmem>>
          %dma_start3A_280 = arith.constant 0 : i32
          %dma_start3A_281 = arith.constant 0 : i32
          %dma_start3A_282 = tpu.memref_slice %arg5[%dma_start3A_280, %dma_start3A_281] : memref<1000x128xf32, #tpu.memory_space<vmem_shared>> -> memref<1000x128xf32, #tpu.memory_space<vmem_shared>>
          tpu.enqueue_indirect_dma source(%dma_start3A_282 : memref<1000x128xf32, #tpu.memory_space<vmem_shared>>) target(%dma_start3A_272 : memref<256x128xf32, #tpu.memory_space<vmem>>) offsets(%dma_start3A_279 : memref<256xi32, #tpu.memory_space<vmem>>) semaphore(%run_scoped3A_268 : memref<!tpu.dma_semaphore, #tpu.memory_space<semaphore_mem>>)
          %dma_wait3A_283 = arith.constant 0 : i32
          %dma_wait3A_284 = arith.constant 0 : i32
          %dma_wait3A_285 = tpu.memref_slice %run_scoped3A_10[%rem3A_201, %dma_wait3A_283, %dma_wait3A_284] : memref<2x256x128xf32, #tpu.memory_space<vmem>> -> memref<1x256x128xf32, #tpu.memory_space<vmem>>
          %dma_wait3A_286 = tpu.memref_squeeze %dma_wait3A_285 : memref<1x256x128xf32, #tpu.memory_space<vmem>> -> memref<256x128xf32, #tpu.memory_space<vmem>>
          %dma_wait3A_287 = arith.constant 0 : i32
          %dma_wait3A_288 = arith.constant 0 : i32
          %dma_wait3A_289 = tpu.memref_slice %run_scoped3A[%rem3A_199, %dma_wait3A_287, %dma_wait3A_288] : memref<2x1x256xi32, #tpu.memory_space<vmem>> -> memref<1x1x256xi32, #tpu.memory_space<vmem>>
          %dma_wait3A_290 = tpu.memref_squeeze %dma_wait3A_289 : memref<1x1x256xi32, #tpu.memory_space<vmem>> -> memref<1x256xi32, #tpu.memory_space<vmem>>
          %dma_wait3A_291 = arith.constant 0 : i32
          %dma_wait3A_292 = tpu.memref_slice %dma_wait3A_290[%run_scoped3A_202, %dma_wait3A_291] : memref<1x256xi32, #tpu.memory_space<vmem>> -> memref<1x256xi32, #tpu.memory_space<vmem>>
          %dma_wait3A_293 = tpu.memref_squeeze %dma_wait3A_292 : memref<1x256xi32, #tpu.memory_space<vmem>> -> memref<256xi32, #tpu.memory_space<vmem>>
          %dma_wait3A_294 = arith.constant 0 : i32
          %dma_wait3A_295 = arith.constant 0 : i32
          %dma_wait3A_296 = tpu.memref_slice %arg5[%dma_wait3A_294, %dma_wait3A_295] : memref<1000x128xf32, #tpu.memory_space<vmem_shared>> -> memref<1000x128xf32, #tpu.memory_space<vmem_shared>>
          tpu.wait_indirect_dma semaphore(%run_scoped3A_268 : memref<!tpu.dma_semaphore, #tpu.memory_space<semaphore_mem>>) src(%dma_wait3A_296 : memref<1000x128xf32, #tpu.memory_space<vmem_shared>>) dst(%dma_wait3A_286 : memref<256x128xf32, #tpu.memory_space<vmem>>)
          tpu.yield
        }) : () -> ()
        "tpu.trace_stop"() : () -> ()
        %ne3A_203 = arith.cmpi ne, %add3A_133, %add3A_151 : i32
        %or3A_204 = arith.constant false
        %or3A_205 = arith.ori %or3A_204, %ne3A_203 : i1
        %or3A_206 = arith.ori %or3A_205, %eq3A_132 : i1
        %convert_element_type3A_207 = arith.extui %or3A_206 : i1 to i32
        %cond3A_208 = arith.constant 0 : i32
        %cond3A_209 = arith.cmpi ne, %convert_element_type3A_207, %cond3A_208 : i32
        scf.if %cond3A_209 {
        } else {
        }
        %and3A_210 = arith.constant false
        %and3A_211 = arith.andi %or3A_206, %and3A_210 : i1
        %ne3A_212 = arith.cmpi ne, %add3A_133, %add3A_151 : i32
        %or3A_213 = arith.constant false
        %or3A_214 = arith.ori %or3A_213, %ne3A_212 : i1
        %or3A_215 = arith.constant false
        %or3A_216 = arith.ori %or3A_214, %or3A_215 : i1
        %or3A_217 = arith.ori %or3A_216, %eq3A_132 : i1
        %convert_element_type3A_218 = arith.extui %or3A_217 : i1 to i32
        %cond3A_219 = arith.constant 0 : i32
        %cond3A_220 = arith.cmpi ne, %convert_element_type3A_218, %cond3A_219 : i32
        scf.if %cond3A_220 {
          "tpu.trace_start"() <{level = 10 : i32, message = "ep_copy_out"}> : () -> ()
          %rem3A_268 = arith.constant 2 : i32
          %rem3A_269 = arith.remui %scan3A_126, %rem3A_268 : i32
          %mul3A_270 = arith.constant 256 : i32
          %mul3A_271 = arith.muli %mul3A_270, %add3A_133 : i32
          %dma_start3A_272 = arith.constant 0 : i32
          %dma_start3A_273 = arith.constant 0 : i32
          %dma_start3A_274 = tpu.memref_slice %run_scoped3A_10[%rem3A_269, %dma_start3A_272, %dma_start3A_273] : memref<2x256x128xf32, #tpu.memory_space<vmem>> -> memref<1x256x128xf32, #tpu.memory_space<vmem>>
          %dma_start3A_275 = tpu.memref_squeeze %dma_start3A_274 : memref<1x256x128xf32, #tpu.memory_space<vmem>> -> memref<256x128xf32, #tpu.memory_space<vmem>>
          %dma_start3A_276 = arith.constant 0 : i32
          %dma_start3A_277 = tpu.memref_slice %arg4[%mul3A_271, %dma_start3A_276] : memref<819200x128xf32, #tpu.memory_space<hbm>> -> memref<256x128xf32, #tpu.memory_space<hbm>>
          %dma_start3A_278 = tpu.memref_slice %run_scoped3A_11[%rem3A_269] : memref<2x!tpu.dma_semaphore, #tpu.memory_space<semaphore_mem>> -> memref<1x!tpu.dma_semaphore, #tpu.memory_space<semaphore_mem>>
          %dma_start3A_279 = tpu.memref_squeeze %dma_start3A_278 : memref<1x!tpu.dma_semaphore, #tpu.memory_space<semaphore_mem>> -> memref<!tpu.dma_semaphore, #tpu.memory_space<semaphore_mem>>
          %dma_start3A_280 = arith.constant 0 : i32
          %dma_start3A_281 = tpu.memref_slice %arg4[%mul3A_271, %dma_start3A_280] : memref<819200x128xf32, #tpu.memory_space<hbm>> -> memref<256x128xf32, #tpu.memory_space<hbm>>
          %dma_start3A_282 = arith.constant 0 : i32
          %dma_start3A_283 = arith.constant 0 : i32
          %dma_start3A_284 = tpu.memref_slice %run_scoped3A_10[%rem3A_269, %dma_start3A_282, %dma_start3A_283] : memref<2x256x128xf32, #tpu.memory_space<vmem>> -> memref<1x256x128xf32, #tpu.memory_space<vmem>>
          %dma_start3A_285 = tpu.memref_squeeze %dma_start3A_284 : memref<1x256x128xf32, #tpu.memory_space<vmem>> -> memref<256x128xf32, #tpu.memory_space<vmem>>
          tpu.enqueue_dma source(%dma_start3A_285 : memref<256x128xf32, #tpu.memory_space<vmem>>) target(%dma_start3A_281 : memref<256x128xf32, #tpu.memory_space<hbm>>) target_semaphore(%dma_start3A_279 : memref<!tpu.dma_semaphore, #tpu.memory_space<semaphore_mem>>)
          "tpu.trace_stop"() : () -> ()
        } else {
        }
        %and3A_221 = arith.constant true
        %and3A_222 = arith.andi %or3A_217, %and3A_221 : i1
        %add3A_223 = arith.constant 1 : i32
        %add3A_224 = arith.addi %scan3A_126, %add3A_223 : i32
        %select_n3A_225 = arith.select %and3A_222, %add3A_224, %scan3A_126 : i32
        %ne3A_226 = arith.cmpi ne, %add3A_133, %add3A_142 : i32
        %or3A_227 = arith.constant false
        %or3A_228 = arith.ori %or3A_227, %ne3A_226 : i1
        %not3A_229 = arith.constant true
        %not3A_230 = arith.xori %eq3A_130, %not3A_229 : i1
        %and3A_231 = arith.andi %or3A_228, %not3A_230 : i1
        %convert_element_type3A_232 = arith.extui %and3A_231 : i1 to i32
        %cond3A_233 = arith.constant 0 : i32
        %cond3A_234 = arith.cmpi ne, %convert_element_type3A_232, %cond3A_233 : i32
        scf.if %cond3A_234 {
        } else {
        }
        %and3A_235 = arith.constant false
        %and3A_236 = arith.andi %and3A_231, %and3A_235 : i1
        %ne3A_237 = arith.cmpi ne, %add3A_133, %add3A_142 : i32
        %or3A_238 = arith.constant false
        %or3A_239 = arith.ori %or3A_238, %ne3A_237 : i1
        %or3A_240 = arith.constant false
        %or3A_241 = arith.ori %or3A_239, %or3A_240 : i1
        %not3A_242 = arith.constant true
        %not3A_243 = arith.xori %eq3A_130, %not3A_242 : i1
        %and3A_244 = arith.andi %or3A_241, %not3A_243 : i1
        %convert_element_type3A_245 = arith.extui %and3A_244 : i1 to i32
        %cond3A_246 = arith.constant 0 : i32
        %cond3A_247 = arith.cmpi ne, %convert_element_type3A_245, %cond3A_246 : i32
        scf.if %cond3A_247 {
          "tpu.trace_start"() <{level = 10 : i32, message = "ep_wait_out"}> : () -> ()
          %rem3A_268 = arith.constant 2 : i32
          %rem3A_269 = arith.remui %scan3A_127, %rem3A_268 : i32
          %mul3A_270 = arith.constant 256 : i32
          %mul3A_271 = arith.muli %mul3A_270, %add3A_142 : i32
          %dma_wait3A_272 = arith.constant 0 : i32
          %dma_wait3A_273 = arith.constant 0 : i32
          %dma_wait3A_274 = tpu.memref_slice %run_scoped3A_10[%rem3A_269, %dma_wait3A_272, %dma_wait3A_273] : memref<2x256x128xf32, #tpu.memory_space<vmem>> -> memref<1x256x128xf32, #tpu.memory_space<vmem>>
          %dma_wait3A_275 = tpu.memref_squeeze %dma_wait3A_274 : memref<1x256x128xf32, #tpu.memory_space<vmem>> -> memref<256x128xf32, #tpu.memory_space<vmem>>
          %dma_wait3A_276 = arith.constant 0 : i32
          %dma_wait3A_277 = tpu.memref_slice %arg4[%mul3A_271, %dma_wait3A_276] : memref<819200x128xf32, #tpu.memory_space<hbm>> -> memref<256x128xf32, #tpu.memory_space<hbm>>
          %dma_wait3A_278 = tpu.memref_slice %run_scoped3A_11[%rem3A_269] : memref<2x!tpu.dma_semaphore, #tpu.memory_space<semaphore_mem>> -> memref<1x!tpu.dma_semaphore, #tpu.memory_space<semaphore_mem>>
          %dma_wait3A_279 = tpu.memref_squeeze %dma_wait3A_278 : memref<1x!tpu.dma_semaphore, #tpu.memory_space<semaphore_mem>> -> memref<!tpu.dma_semaphore, #tpu.memory_space<semaphore_mem>>
          %dma_wait3A_280 = arith.constant 0 : i32
          %dma_wait3A_281 = tpu.memref_slice %arg4[%mul3A_271, %dma_wait3A_280] : memref<819200x128xf32, #tpu.memory_space<hbm>> -> memref<256x128xf32, #tpu.memory_space<hbm>>
          %dma_wait3A_282 = arith.constant 0 : i32
          %dma_wait3A_283 = arith.constant 0 : i32
          %dma_wait3A_284 = tpu.memref_slice %run_scoped3A_10[%rem3A_269, %dma_wait3A_282, %dma_wait3A_283] : memref<2x256x128xf32, #tpu.memory_space<vmem>> -> memref<1x256x128xf32, #tpu.memory_space<vmem>>
          %dma_wait3A_285 = tpu.memref_squeeze %dma_wait3A_284 : memref<1x256x128xf32, #tpu.memory_space<vmem>> -> memref<256x128xf32, #tpu.memory_space<vmem>>
          tpu.wait_dma2 semaphore(%dma_wait3A_279 : memref<!tpu.dma_semaphore, #tpu.memory_space<semaphore_mem>>) src(%dma_wait3A_285 : memref<256x128xf32, #tpu.memory_space<vmem>>) dst(%dma_wait3A_281 : memref<256x128xf32, #tpu.memory_space<hbm>>)
          "tpu.trace_stop"() : () -> ()
        } else {
        }
        %and3A_248 = arith.constant true
        %and3A_249 = arith.andi %and3A_244, %and3A_248 : i1
        %add3A_250 = arith.constant 1 : i32
        %add3A_251 = arith.addi %scan3A_127, %add3A_250 : i32
        %select_n3A_252 = arith.select %and3A_249, %add3A_251, %scan3A_127 : i32
        %ne3A_253 = arith.cmpi ne, %add3A_133, %add3A_151 : i32
        %or3A_254 = arith.constant false
        %or3A_255 = arith.ori %or3A_254, %ne3A_253 : i1
        %or3A_256 = arith.ori %or3A_255, %eq3A_132 : i1
        %add3A_257 = arith.constant 1 : i32
        %add3A_258 = arith.addi %scan3A_125, %add3A_257 : i32
        %select_n3A_259 = arith.select %or3A_256, %add3A_258, %scan3A_125 : i32
        %add3A_260 = arith.constant 1 : i32
        %add3A_261 = arith.addi %scan3A_128, %add3A_260 : i32
        %select_n3A_262 = arith.constant true
        %select_n3A_263 = arith.select %select_n3A_262, %add3A_261, %scan3A_128 : i32
        %eq3A_264 = arith.constant 100 : i32
        %eq3A_265 = arith.cmpi eq, %select_n3A_263, %eq3A_264 : i32
        %select_n3A_266 = arith.constant 0 : i32
        %select_n3A_267 = arith.select %eq3A_265, %select_n3A_266, %select_n3A_263 : i32
        scf.yield %select_n3A_171, %select_n3A_259, %select_n3A_225, %select_n3A_252, %select_n3A_267 : i32, i32, i32, i32, i32
      }
      %scan3A_70 = arith.constant 100 : i32
      %sub3A = arith.constant 1 : i32
      %sub3A_71 = arith.subi %scan3A_69#4, %sub3A : i32
      %select_n3A_72 = arith.constant true
      %select_n3A_73 = arith.select %select_n3A_72, %sub3A_71, %scan3A_69#4 : i32
      %eq3A_74 = arith.constant -1 : i32
      %eq3A_75 = arith.cmpi eq, %select_n3A_73, %eq3A_74 : i32
      %select_n3A_76 = arith.constant 99 : i32
      %select_n3A_77 = arith.select %eq3A_75, %select_n3A_76, %select_n3A_73 : i32
      %add3A_78 = arith.addi %select_n3A_77, %mul3A_8 : i32
      %sub3A_79 = arith.constant 1 : i32
      %sub3A_80 = arith.subi %select_n3A_77, %sub3A_79 : i32
      %select_n3A_81 = arith.constant true
      %select_n3A_82 = arith.select %select_n3A_81, %sub3A_80, %select_n3A_77 : i32
      %eq3A_83 = arith.constant -1 : i32
      %eq3A_84 = arith.cmpi eq, %select_n3A_82, %eq3A_83 : i32
      %select_n3A_85 = arith.constant 99 : i32
      %select_n3A_86 = arith.select %eq3A_84, %select_n3A_85, %select_n3A_82 : i32
      %add3A_87 = arith.addi %select_n3A_86, %mul3A_8 : i32
      %add3A_88 = arith.constant 1 : i32
      %add3A_89 = arith.addi %select_n3A_77, %add3A_88 : i32
      %select_n3A_90 = arith.constant true
      %select_n3A_91 = arith.select %select_n3A_90, %add3A_89, %select_n3A_77 : i32
      %eq3A_92 = arith.constant 100 : i32
      %eq3A_93 = arith.cmpi eq, %select_n3A_91, %eq3A_92 : i32
      %select_n3A_94 = arith.constant 0 : i32
      %select_n3A_95 = arith.select %eq3A_93, %select_n3A_94, %select_n3A_91 : i32
      %add3A_96 = arith.addi %select_n3A_95, %mul3A_8 : i32
      %add3A_97 = arith.constant 1 : i32
      %add3A_98 = arith.addi %select_n3A_95, %add3A_97 : i32
      %select_n3A_99 = arith.constant true
      %select_n3A_100 = arith.select %select_n3A_99, %add3A_98, %select_n3A_95 : i32
      %eq3A_101 = arith.constant 100 : i32
      %eq3A_102 = arith.cmpi eq, %select_n3A_100, %eq3A_101 : i32
      %select_n3A_103 = arith.constant 0 : i32
      %select_n3A_104 = arith.select %eq3A_102, %select_n3A_103, %select_n3A_100 : i32
      %add3A_105 = arith.addi %select_n3A_104, %mul3A_8 : i32
      "tpu.trace_start"() <{level = 10 : i32, message = "ep_finalize"}> : () -> ()
      %rem3A_106 = arith.constant 2 : i32
      %rem3A_107 = arith.remui %scan3A_69#3, %rem3A_106 : i32
      %mul3A_108 = arith.constant 256 : i32
      %mul3A_109 = arith.muli %mul3A_108, %add3A_78 : i32
      %dma_wait3A = arith.constant 0 : i32
      %dma_wait3A_110 = arith.constant 0 : i32
      %dma_wait3A_111 = tpu.memref_slice %run_scoped3A_10[%rem3A_107, %dma_wait3A, %dma_wait3A_110] : memref<2x256x128xf32, #tpu.memory_space<vmem>> -> memref<1x256x128xf32, #tpu.memory_space<vmem>>
      %dma_wait3A_112 = tpu.memref_squeeze %dma_wait3A_111 : memref<1x256x128xf32, #tpu.memory_space<vmem>> -> memref<256x128xf32, #tpu.memory_space<vmem>>
      %dma_wait3A_113 = arith.constant 0 : i32
      %dma_wait3A_114 = tpu.memref_slice %arg4[%mul3A_109, %dma_wait3A_113] : memref<819200x128xf32, #tpu.memory_space<hbm>> -> memref<256x128xf32, #tpu.memory_space<hbm>>
      %dma_wait3A_115 = tpu.memref_slice %run_scoped3A_11[%rem3A_107] : memref<2x!tpu.dma_semaphore, #tpu.memory_space<semaphore_mem>> -> memref<1x!tpu.dma_semaphore, #tpu.memory_space<semaphore_mem>>
      %dma_wait3A_116 = tpu.memref_squeeze %dma_wait3A_115 : memref<1x!tpu.dma_semaphore, #tpu.memory_space<semaphore_mem>> -> memref<!tpu.dma_semaphore, #tpu.memory_space<semaphore_mem>>
      %dma_wait3A_117 = arith.constant 0 : i32
      %dma_wait3A_118 = tpu.memref_slice %arg4[%mul3A_109, %dma_wait3A_117] : memref<819200x128xf32, #tpu.memory_space<hbm>> -> memref<256x128xf32, #tpu.memory_space<hbm>>
      %dma_wait3A_119 = arith.constant 0 : i32
      %dma_wait3A_120 = arith.constant 0 : i32
      %dma_wait3A_121 = tpu.memref_slice %run_scoped3A_10[%rem3A_107, %dma_wait3A_119, %dma_wait3A_120] : memref<2x256x128xf32, #tpu.memory_space<vmem>> -> memref<1x256x128xf32, #tpu.memory_space<vmem>>
      %dma_wait3A_122 = tpu.memref_squeeze %dma_wait3A_121 : memref<1x256x128xf32, #tpu.memory_space<vmem>> -> memref<256x128xf32, #tpu.memory_space<vmem>>
      tpu.wait_dma2 semaphore(%dma_wait3A_116 : memref<!tpu.dma_semaphore, #tpu.memory_space<semaphore_mem>>) src(%dma_wait3A_122 : memref<256x128xf32, #tpu.memory_space<vmem>>) dst(%dma_wait3A_118 : memref<256x128xf32, #tpu.memory_space<hbm>>)
      "tpu.trace_stop"() : () -> ()
      tpu.yield
    }) : () -> ()
    return
  }
}

</mosaic_0001>

<sc_bundles>
// kernel: kernel.3.cloned.1.call-start
scs
__scs_entry_jumppad:
0x0: {  	(pc) =	sbr.rel $0x88, $3  }
0x1: {  	(tag) =	ssettag $0x0;
	lr =	simm.s32 $0x1  }
0x2: {  	[smem:$0x3F9F] =	sst lr;
	_ =	strace $0xD0000000  }
0x3: {  	_ = 	snop  }
0x4: {  	_ = 	snop  }
0x5: {  	_ = 	snop  }
0x6: {  	_ = 	snop  }
0x7: {  	_ = 	snop  }
__scs_overlays_trampoline_lowered:
0x8: {  	[smem:$0x3FAE] =	sst s0  }
0x9: {  	[smem:$0x3FAF] =	sst s1  }
0xa: {  	[smem:$0x3FB0] =	sst s2  }
0xb: {  	[smem:$0x3FB1] =	sst s3  }
0xc: {  	[smem:$0x3FB2] =	sst s4  }
0xd: {  	[smem:$0x3FB3] =	sst s5  }
0xe: {  	[smem:$0x3FB4] =	sst s6  }
0xf: {  	[smem:$0x3FB5] =	sst s7  }
0x10: {  	[smem:$0x3FB6] =	sst s8  }
0x11: {  	[smem:$0x3FB7] =	sst s9;
	s0 =	simm.s32 @!p0 $0x0  }
0x12: {  	s1 =	sld [smem:$0x3F9D];
	s0 =	simm.s32 @p0 $0x1  }
0x13: {  	[smem:$0x3FB8] =	sst s0;
	s0 =	simm.s32 @!p1 $0x0  }
0x14: {  	s2 =	sld [smem:$0x3F9C];
	s0 =	simm.s32 @p1 $0x1  }
0x15: {  	[smem:$0x3FB9] =	sst s0;
	s0 =	simm.s32 @!p2 $0x0  }
0x16: {  	s3 =	sld [smem:$0x3FDB];
	s0 =	simm.s32 @p2 $0x1  }
0x17: {  	s4 =	simm.s32 $0x1BF5;
	[smem:$0x3FBB] =	sst s0  }
0x18: {  	s0 =	sld [smem:$0x3F9E];
	_ =	swait.ge [sflag:s4], $0x0  }
0x19: {  	s7 =	sld [smem:$0x3F9F]  }
0x1a: {  	s8 =	sadd.s32 $0xFFFFE003, lr  }
0x1b: {  	s9 =	sadd.s32 $0xFFFFFEF7, lr;
	s5 =	simm.s32 $0xFFFFFFFF;
	p2 =	slt.u32 s8, $0xFFFFF086  }
0x1c: {  	p1 =	slt.u32 s9, $0xF7A;
	s5 =	simm.s32 @!p2 $0x0  }
0x1d: {  	s5 =	simm.s32 @p1 $0x1;
	p0 =	seq.s32 s7, s2  }
0x1e: {  	s7 =	smul.u32 @!p0 $0xF7A, s2;
	p2 =	seq.s32 @!p0 s5, $0x0  }
0x1f: {  	s9 =	smul.u32 $0xF7A, s1;
	s8 =	simm.s32 @!p0 $0x1BF5;
	p2 =	por !p2, p0  }
0x20: {  	[sflag:s8] =	ssyncset.s32 @!p0 $0xFFFFF086;
	s6 =	sadd.s32 @!p0 s3, s7;
	s7 =	simm.s32 @!p0 $0x108  }
0x21: {  	s3 =	sadd.s32 s3, s9;
	s6 =	sadd.s32 @!p0 $0x88, s6;
	s7 =	simm.s32 @p2 $0x1082  }
0x22: {  	[simem:s7], [sflag:s8] =	dma.local @!p0 [hbm:s6], $0xF7A  }
0x23: {  	s9 =	sor.u32 $0xD0000000, s2;
	s6 =	simm.s32 $0x108;
	_ =	swait.ge @!p0 [sflag:s8], $0x0  }
0x24: {  	s3 =	sadd.s32 $0x88, s3;
	s6 =	simm.s32 @!p1 $0x1082;
	[sflag:s4] =	ssyncset.s32 $0xFFFFF086  }
0x25: {  	[simem:s6], [sflag:s4] =	dma.local [hbm:s3], $0xF7A  }
0x26: {  	[smem:$0x3F9F] =	sst s1;
	(tag) =	ssettag s2;
	_ =	strace s9  }
0x27: {  	s1 =	sld [smem:$0x3FAF]  }
0x28: {  	s2 =	sld [smem:$0x3FB0]  }
0x29: {  	s4 =	sld [smem:$0x3FB2]  }
0x2a: {  	p0 =	seq.s32 s5, $0x0;
	s5 =	sld [smem:$0x3FB3]  }
0x2b: {  	s6 =	sld [smem:$0x3FB4]  }
0x2c: {  	s7 =	sld [smem:$0x3FB5]  }
0x2d: {  	s3 =	simm.s32 $0x108;
	s8 =	sld [smem:$0x3FB6]  }
0x2e: {  	s3 =	simm.s32 @!p0 $0x1082;
	s9 =	sld [smem:$0x3FB7]  }
0x2f: {  	lr =	sadd.s32 s0, s3;
	s0 =	sld [smem:$0x3FAE]  }
0x30: {  	s3 =	sld [smem:$0x3FB1]  }
0x31: {  	[smem:$0x3FBA] =	sst s10  }
0x32: {  	s10 =	sld [smem:$0x3FB8];
	_ =	sdelay $0x3  }
0x33: {  	p0 =	seq.s32 s10, $0x1;
	s10 =	sld [smem:$0x3FBA];
	_ =	sdelay $0x3  }
0x34: {  	[smem:$0x3FBA] =	sst s10  }
0x35: {  	s10 =	sld [smem:$0x3FB9];
	_ =	sdelay $0x3  }
0x36: {  	p1 =	seq.s32 s10, $0x1;
	s10 =	sld [smem:$0x3FBA];
	_ =	sdelay $0x3  }
0x37: {  	[smem:$0x3FBA] =	sst s10  }
0x38: {  	s10 =	sld [smem:$0x3FBB]  }
0x39: {  	_ = 	snop;
	(pc) =	sbr.ind lr, $3  }
0x3a: {  	_ = 	snop  }
0x3b: {  	_ = 	snop  }
0x3c: {  	p2 =	seq.s32 s10, $0x1;
	s10 =	sld [smem:$0x3FBA]  }
0x3d: {  	_ =	shalt  }
0x3e: {  	_ =	shalt  }
0x3f: {  	_ =	shalt  }
0x40: {  	_ =	shalt  }
0x41: {  	_ =	shalt  }
0x42: {  	_ =	shalt  }
0x43: {  	_ =	shalt  }
0x44: {  	_ =	shalt  }
0x45: {  	_ =	shalt  }
0x46: {  	_ =	shalt  }
0x47: {  	_ =	shalt  }
0x48: {  	_ =	shalt  }
0x49: {  	_ =	shalt  }
0x4a: {  	_ =	shalt  }
0x4b: {  	_ =	shalt  }
0x4c: {  	_ =	shalt  }
0x4d: {  	_ =	shalt  }
0x4e: {  	_ =	shalt  }
0x4f: {  	_ =	shalt  }
0x50: {  	_ =	shalt  }
0x51: {  	_ =	shalt  }
0x52: {  	_ =	shalt  }
0x53: {  	_ =	shalt  }
0x54: {  	_ =	shalt  }
0x55: {  	_ =	shalt  }
0x56: {  	_ =	shalt  }
0x57: {  	_ =	shalt  }
0x58: {  	_ =	shalt  }
0x59: {  	_ =	shalt  }
0x5a: {  	_ =	shalt  }
0x5b: {  	_ =	shalt  }
0x5c: {  	_ =	shalt  }
0x5d: {  	_ =	shalt  }
0x5e: {  	_ =	shalt  }
0x5f: {  	_ =	shalt  }
0x60: {  	_ =	shalt  }
0x61: {  	_ =	shalt  }
0x62: {  	_ =	shalt  }
0x63: {  	_ =	shalt  }
0x64: {  	_ =	shalt  }
0x65: {  	_ =	shalt  }
0x66: {  	_ =	shalt  }
0x67: {  	_ =	shalt  }
0x68: {  	_ =	shalt  }
0x69: {  	_ =	shalt  }
0x6a: {  	_ =	shalt  }
0x6b: {  	_ =	shalt  }
0x6c: {  	_ =	shalt  }
0x6d: {  	_ =	shalt  }
0x6e: {  	_ =	shalt  }
0x6f: {  	_ =	shalt  }
0x70: {  	_ =	shalt  }
0x71: {  	_ =	shalt  }
0x72: {  	_ =	shalt  }
0x73: {  	_ =	shalt  }
0x74: {  	_ =	shalt  }
0x75: {  	_ =	shalt  }
0x76: {  	_ =	shalt  }
0x77: {  	_ =	shalt  }
0x78: {  	_ =	shalt  }
0x79: {  	_ =	shalt  }
0x7a: {  	_ =	shalt  }
0x7b: {  	_ =	shalt  }
0x7c: {  	_ =	shalt  }
0x7d: {  	_ =	shalt  }
0x7e: {  	_ =	shalt  }
0x7f: {  	_ =	shalt  }
0x80: {  	_ =	shalt  }
0x81: {  	_ =	shalt  }
0x82: {  	_ =	shalt  }
0x83: {  	_ =	shalt  }
0x84: {  	_ =	shalt  }
0x85: {  	_ =	shalt  }
0x86: {  	_ =	shalt  }
0x87: {  	_ =	shalt  }
.Lfunc_end0:
.L_simem_size_0:
called_computation_lowered:
.L_overlay_start_0:
0x88: {  	s2 =	sld [smem:$0x3FD9]  }
0x89: {  	s3 =	sld [smem:$0x3FFE];
	_ =	sdelay $0x1  }
0x8a: {  	s1 =	srdreg.scid  }
0x8b: {  	s0 =	sand.u32 $0x1, s1  }
0x8c: {  	s17 =	sshll.u32 s0, $0xA;
	s2 =	sadd.s32 s3, s2  }
0x8d: {  	s2 =	sadd.s32 s2, s17  }
0x8e: {  	[smem:$0x3FC6] =	sst s2  }
0x8f: {  	_ = 	snop  }
0x90: {  	s2 =	sld [smem:$0x3FC8]  }
0x91: {  	s18 =	sld [smem:$0x3FD0];
	(tm) =	ssettm $0x1  }
0x92: {  	s4 =	sld [smem:$0x3FFB];
	_ =	sdelay $0x3  }
0x93: {  	_ =	strace s4  }
0x94: {  	s4 =	sld [smem:$0x3FFC];
	_ =	sdelay $0x3  }
0x95: {  	_ =	strace s4  }
0x96: {  	s4 =	sld [smem:$0x3FFD];
	_ =	sdelay $0x3  }
0x97: {  	_ =	strace s4  }
0x98: {  	_ =	strace $0x8FFFFFFF  }
0x99: {  	s19 =	sld [smem:$0x3FDB];
	_ =	sdelay $0x1  }
0x9a: {  	s5 =	simm.s32 $_scs_section_size  }
0x9b: {  	s6 =	simm.s32 $_size__tile_overlayer_lowered;
	s7 =	simm.s32 $_tile_overlayer_lowered  }
0x9c: {  	s22 =	simm.s32 $0x1BFF;
	s21 =	sshll.u32 s7, $0x1;
	s4 =	sadd.s32 s5, s19  }
0x9d: {  	s8 =	simm.s32 $0x0;
	s20 =	sshll.u32 s6, $0x1;
	s6 =	sadd.s32 s21, s4  }
0x9e: {  	[timem:s8], [sflag:s22] =	dma.local [hbm:s6], s20  }
0x9f: {  	_ =	swait.ge [sflag:s22], s20  }
0xa0: {  	s5 =	ssub.s32 $0x0, s20;
	[sflag:s22] =	ssyncset.done $0x0  }
0xa1: {  	[sflag:s22] =	ssyncadd.s32 s5;
	_ =	sdelay $0x1  }
0xa2: {  	s23 =	simm.s32 $0x1B8B  }
0xa3: {  	_ =	swait.ge [sflag:s23], $0x1  }
0xa4: {  	[sflag:s23] =	ssyncset.done $0x0  }
0xa5: {  	s25 =	simm.s32 $0x1B8E;
	s24 =	sld [smem:$0x3FFE];
	[sflag:s23] =	ssyncadd.s32 $0xFFFFFFFF  }
0xa6: {  	s26 =	simm.s32 $execute0_lowered;
	[smem:$0x3FD2] =	sst s25  }
0xa7: {  	s6 =	sshll.u32 s26, $0x1;
	_ =	strace $0x80000046;
	[dreg:$0x1] =	wrdreg $0xFFFFFFFF  }
0xa8: {  	s28 =	simm.s32 $_size_execute0_lowered;
	s4 =	sadd.s32 s4, s6;
	[dreg:$0x0] =	wrdreg $0x0  }
0xa9: {  	s6 =	sshll.u32 s28, $0x1;
	[dreg:$0x2] =	wrdreg s4  }
0xaa: {  	[dreg:$0x3] =	wrdreg s6  }
0xab: {  	[dreg:$0x4] =	wrdreg $0xC0  }
0xac: {  	_ =	task [dreg:s8], $0x5FFFF  }
0xad: {  	[dreg:$0x1] =	wrdreg $0xFFFFFFFF  }
0xae: {  	[dreg:$0x0] =	wrdreg $0x60  }
0xaf: {  	[dreg:$0x2] =	wrdreg s2  }
0xb0: {  	[dreg:$0x3] =	wrdreg s24  }
0xb1: {  	[dreg:$0x4] =	wrdreg s18  }
0xb2: {  	[dreg:$0x5] =	wrdreg $0x0  }
0xb3: {  	[dreg:$0x6] =	wrdreg $0x9  }
0xb4: {  	_ =	task.clear_ibuf [dreg:s8], $0x7FFFF;
	_ =	strace $0x90000046  }
0xb5: {  	s29 =	simm.s32 $0x9;
	_ =	strace $0x8000004F  }
0xb6: {  	_ =	swait.ge [sflag:s29], $0x1  }
0xb7: {  	[sflag:s29] =	ssyncadd.s32 $0xFFFFFFFF  }
0xb8: {  	_ =	strace $0x9000004F  }
0xb9: {  	_ =	sfence  }
0xba: {  	s30 =	sld [smem:$0x0];
	_ =	sdelay $0x2  }
0xbb: {  	s31 =	sshll.u32 s1, $0xD;
	s1 =	sshrl.u32 s1, $0x2  }
0xbc: {  	s3 =	sand.u32 $0x4000, s31;
	s1 =	sadd.s32 s1, s30  }
0xbd: {  	s0 =	sor.u32 s3, s0;
	s1 =	sshll.u32 s1, $0x11  }
0xbe: {  	s0 =	sor.u32 s1, s0  }
0xbf: {  	s0 =	sadd.s32 $0x8F2B, s0  }
0xc0: {  	[sflag:s0] =	ssyncadd.remote.s32 $0x1  }
0xc1: {  	_ =	sfence.sel $0xFFFF  }
0xc2: {  	[dreg:$0x0] =	wrdreg $0xFFFFFFFF;
	(pc) =	sbr.abs _section_cstart, $3  }
0xc3: {  	[dreg:$0x1] =	wrdreg $0xFFFFFFFF  }
0xc4: {  	_ =	task.clear_ibuf [dreg:s8], $0x2FFFF;
	_ =	strace $0x9FFFFFFF  }
0xc5: {  	(tm) =	ssettm $0x7FFFFFFF  }
tec
execute0_lowered:
.L_overlay_start_1:
0x0: {  	(tag) =	ssettag $0x1  }
0x1: {  	s0 =	rddreg [dreg:$0x0]  }
0x2: {  	s3 =	rddreg [dreg:$0x1]  }
0x3: {  	s1 =	rddreg [dreg:$0x2]  }
0x4: {  	s2 =	rddreg [dreg:$0x3];
	s4 =	simm.s32 $0x0;
	s5 =	srdreg.scid  }
0x5: {  	s11 =	stileid.u32;
	s16 =	simm.s32 $0x100;
	s17 =	simm.s32 $0x2140  }
0x6: {  	s18 =	simm.s32 $0x6;
	s19 =	simm.s32 $0x1;
	s20 =	simm.s32 $0x5  }
0x7: {  	s21 =	simm.s32 $0x0;
	[smem:$0x7FF] =	sst s4;
	s6 =	sand.u32 $0x1, s5  }
0x8: {  	s5 =	sadd.s32 $0x400, s3;
	s26 =	smul.u32 $0x19000, s11;
	s7 =	sshll.u32 s6, $0x4  }
0x9: {  	s9 =	smul.u32 $0xC80, s11;
	p0 =	sgt.u32 s11, $0x4;
	s7 =	sor.u32 s11, s7  }
0xa: {  	_ =	strace $0x80000047;
	s8 =	ssub.s32 $0x2, s6;
	s6 =	smul.u32 $0x64, s7  }
0xb: {  	s10 =	sshrl.u32 s8, $0x1;
	s3 =	sshrl.u32 s26, $0x2;
	s28 =	smul.u32 $0xC80, s7  }
0xc: {  	s0 =	sadd.s32 s0, s9;
	s10 =	ssub.s32 s8, s10;
	s29 =	smul.u32 $0x64000, s7  }
0xd: {  	s3 =	sadd.s32 s3, s2;
	[dreg:$0x5] =	wrdreg s0;
	s30 =	smax.u32 s10, $0x1  }
0xe: {  	s8 =	sadd.s32 s5, s28;
	[dreg:$0x6] =	wrdreg s30;
	s0 =	sadd.s32 s1, s29  }
0xf: {  	s7 =	sshll.u32 @!p0 s11, $0x6;
	s31 =	sadd.s32 $0x20, s8;
	[dreg:$0x8] =	wrdreg s0  }
0x10: {  	s12 =	sor.u32 @!p0 $0x1C01, s7;
	s13 =	sshrl.u32 @!p0 s3, $0x3;
	[dreg:$0x7] =	wrdreg s31  }
.LBB2_1:
0x11: {  	s0 =	rddreg [dreg:$0x5]  }
0x12: {  	[spmem:s13], [sflag:s12] =	dma.local @!p0 [hbm:s0], $0xC80  }
0x13: {  	s0 =	simm.s32 @!p0 $0x1  }
0x14: {  	_ =	swait.ge @!p0 [sflag:s0], $0xC80  }
0x15: {  	[sflag:s0] =	ssyncset.done @!p0 $0x0  }
0x16: {  	[sflag:s0] =	ssyncadd.s32 @!p0 $0xFFFFF380  }
0x17: {  	[bflag:$0x0] =	sbarrier.arrive $0xFFFF  }
0x18: {  	s3 =	simm.s32 $0x1F40;
	_ =	strace $0x80000048  }
0x19: {  	[tilespmem:s3], [sflag:$0x2] =	stream.linear.gather [hbm4b:s8+s4], $0x100, $0x200038;
	[tilespmem:$0x12140] =	vst v63  }
0x1a: {  	_ =	strace $0x90000048  }
0x1b: {  	_ =	strace $0x80000049  }
0x1c: {  	s7 =	simm.s32 $0x2040;
	s10 =	rddreg [dreg:$0x7]  }
0x1d: {  	[tilespmem:s7], [sflag:$0x3] =	stream.linear.gather [hbm4b:s10+s4], $0x100, $0x200038;
	[tilespmem:$0x12140] =	vst v63  }
0x1e: {  	_ =	strace $0x90000049  }
0x1f: {  	s0 =	simm.s32 $0x2;
	_ =	strace $0x8000004A  }
0x20: {  	_ =	swait.ge [sflag:s0], $0x100  }
0x21: {  	[sflag:s0] =	ssyncset.done $0x0  }
0x22: {  	[sflag:s0] =	ssyncadd.s32 $0xFFFFFF00  }
0x23: {  	p1 =	por $0x0, $0x0;
	_ =	strace $0x9000004A  }
0x24: {  	s9 =	simm.s32 $0x100;
	s23 =	simm.s32 $0x1;
	_ =	strace $0x8000004B  }
0x25: {  	[tilespmem:s17], [sflag:$0x6] =	stream.indirect.gather [spmem:s2], $0x80, s3, s16, $0x2000b8;
	[tilespmem:$0x12140] =	vst v63  }
0x26: {  	s24 =	sand.u32 $0x1, s19;
	s3 =	simm.s32 $0x2;
	_ =	swait.ge [sflag:s18], $0x8000  }
0x27: {  	s22 =	sand.u32 $0x100, s9;
	s3 =	simm.s32 @p1 $0x0;
	[sflag:s18] =	ssyncset.done $0x0  }
0x28: {  	s9 =	sadd.s32 $0x1, s6;
	p1 =	seq.s32 s3, $0x1;
	[sflag:s18] =	ssyncadd.s32 $0xFFFF8000  }
0x29: {  	s25 =	sshll.u32 s24, $0xF;
	s0 =	sand.u32 @!p1 $0x1, s0;
	_ =	strace $0x9000004B  }
0x2a: {  	s7 =	sadd.s32 @!p1 s6, s3;
	s15 =	simm.s32 @!p1 $0x0;
	_ =	strace $0x8000004C  }
0x2b: {  	s7 =	sshll.u32 @!p1 s7, $0x5;
	s14 =	sshll.u32 @!p1 s0, $0x8;
	s11 =	rddreg [dreg:$0x8]  }
0x2c: {  	[hbm4b:s11+s4] =	stream.linear.scatter [tilespmem:s17], [sflag:$0x4], $0x8000, $0x200038;
	[tilespmem:$0x12140] =	vst v63  }
0x2d: {  	s0 =	sor.u32 @!p1 $0x2, s0;
	s7 =	sand.u32 @!p1 $0x1FFFFFE0, s7;
	_ =	strace $0x9000004C  }
0x2e: {  	s14 =	sadd.s32 @!p1 $0x1F40, s14;
	s7 =	sadd.s32 @!p1 s5, s7;
	_ =	strace @!p1 $0x80000049  }
0x2f: {  	[tilespmem:s14], [sflag:s0] =	stream.linear.gather @!p1 [hbm4b:s7+s15], $0x100, $0x200038;
	[tilespmem:$0x12140] =	vst v63  }
0x30: {  	p2 =	sne.s32 s3, $0x1;
	s14 =	sand.u32 $0x1, s19;
	_ =	strace @!p1 $0x90000049  }
0x31: {  	s9 =	sshll.u32 @!p1 s9, $0xC;
	s0 =	sor.u32 $0x2, s14;
	_ =	strace $0x8000004A  }
0x32: {  	s7 =	sadd.s32 $0x1F40, s22;
	s14 =	simm.s32 $0x1;
	_ =	swait.ge [sflag:s0], $0x100  }
0x33: {  	s22 =	simm.s32 $0x2;
	s14 =	simm.s32 @!p2 $0x0;
	[sflag:s0] =	ssyncset.done $0x0  }
0x34: {  	[sflag:s0] =	ssyncadd.s32 $0xFFFFFF00;
	s0 =	sor.u32 $0x2140, s25;
	s25 =	sadd.s32 $0x1, s14  }
0x35: {  	s29 =	sadd.s32 $0x2, s14;
	_ =	strace $0x9000004A;
	s26 =	sshll.u32 s25, $0x8  }
0x36: {  	s14 =	sand.u32 $0x1, s25;
	s30 =	smov.u32 s25;
	_ =	strace $0x8000004B  }
0x37: {  	[tilespmem:s0], [sflag:$0x6] =	stream.indirect.gather [spmem:s2], $0x80, s7, s16, $0x2000b8;
	[tilespmem:$0x12140] =	vst v63  }
0x38: {  	s28 =	sand.u32 $0x100, s26;
	s7 =	sand.u32 @!p1 $0x1FFFF000, s9;
	_ =	swait.ge [sflag:s18], $0x8000  }
0x39: {  	s9 =	sor.u32 @!p1 $0x4, s24;
	s24 =	sadd.s32 $0x1, s3;
	[sflag:s18] =	ssyncset.done $0x0  }
0x3a: {  	s26 =	sand.u32 $0x1, s4;
	p2 =	seq.s32 s24, $0x64;
	[sflag:s18] =	ssyncadd.s32 $0xFFFF8000  }
0x3b: {  	s31 =	sor.u32 $0x2, s14;
	s24 =	simm.s32 @p2 $0x0;
	_ =	strace $0x9000004B  }
0x3c: {  	s7 =	sadd.s32 @!p1 s1, s7;
	p2 =	sne.s32 s3, s24;
	_ =	strace @!p1 $0x8000004C  }
0x3d: {  	[hbm4b:s7+s15] =	stream.linear.scatter @!p1 [tilespmem:s0], [sflag:s9], $0x8000, $0x200038;
	[tilespmem:$0x12140] =	vst v63  }
0x3e: {  	s0 =	sadd.s32 s6, s3;
	s9 =	sor.u32 $0x4, s26;
	_ =	strace @!p1 $0x9000004C  }
0x3f: {  	s26 =	smov.u32 s25;
	p1 =	seq.s32 s3, s24;
	_ =	strace $0x8000004D  }
0x40: {  	s14 =	sand.u32 @!p1 $0x1, s29;
	s3 =	sadd.s32 @!p1 s6, s24;
	_ =	swait.ge [sflag:s9], $0x8000  }
.LBB2_2:
0x41: {  	s10 =	sshll.u32 @!p1 s3, $0x5;
	s15 =	simm.s32 @!p1 $0x0  }
0x42: {  	[sflag:s9] =	ssyncset.done $0x0;
	s7 =	smov.u32 s23;
	s23 =	smov.u32 s22  }
0x43: {  	s3 =	smov.u32 s24;
	s11 =	sshll.u32 @!p1 s14, $0x8;
	s0 =	sshll.u32 @!p1 s0, $0xC  }
0x44: {  	s10 =	sand.u32 @!p1 $0x1FFFFFE0, s10;
	[sflag:s9] =	ssyncadd.s32 $0xFFFF8000;
	s9 =	sadd.s32 @!p1 $0x1F40, s11  }
0x45: {  	s11 =	sor.u32 @!p1 $0x2, s14;
	s14 =	simm.s32 $0x1;
	s10 =	sadd.s32 @!p1 s5, s10  }
0x46: {  	s14 =	simm.s32 @!p2 $0x0;
	_ =	strace $0x9000004D  }
0x47: {  	s0 =	sand.u32 @!p1 $0x1FFFF000, s0;
	s29 =	sadd.s32 s14, s29;
	_ =	strace @!p1 $0x80000049  }
0x48: {  	[tilespmem:s9], [sflag:s11] =	stream.linear.gather @!p1 [hbm4b:s10+s15], $0x100, $0x200038;
	[tilespmem:$0x12140] =	vst v63  }
0x49: {  	s25 =	sadd.s32 s14, s25;
	s10 =	sadd.s32 @!p1 s1, s0;
	_ =	strace @!p1 $0x90000049  }
0x4a: {  	s26 =	sadd.s32 s14, s26;
	s9 =	sand.u32 $0x1, s30;
	_ =	strace $0x8000004A  }
0x4b: {  	s11 =	sand.u32 $0x1, s26;
	s0 =	sshll.u32 s26, $0x8;
	_ =	swait.ge [sflag:s31], $0x100  }
0x4c: {  	s0 =	sand.u32 $0x100, s0;
	s14 =	sshll.u32 s9, $0xF;
	[sflag:s31] =	ssyncset.done $0x0  }
0x4d: {  	s14 =	sor.u32 $0x2140, s14;
	[sflag:s31] =	ssyncadd.s32 $0xFFFFFF00;
	s31 =	sadd.s32 $0x1F40, s28  }
0x4e: {  	s22 =	sadd.s32 $0x1, s22;
	s30 =	smov.u32 s25;
	_ =	strace $0x9000004A  }
0x4f: {  	p3 =	sne.s32 s22, $0x62;
	s28 =	smov.u32 s0;
	_ =	strace $0x8000004B  }
0x50: {  	[tilespmem:s14], [sflag:$0x6] =	stream.indirect.gather [spmem:s2], $0x80, s31, s16, $0x2000b8;
	[tilespmem:$0x12140] =	vst v63  }
0x51: {  	_ =	swait.ge [sflag:s18], $0x8000  }
0x52: {  	s0 =	sadd.s32 s6, s24;
	[sflag:s18] =	ssyncset.done $0x0  }
0x53: {  	s24 =	sadd.s32 $0x1, s24;
	s31 =	sor.u32 @!p1 $0x4, s9;
	[sflag:s18] =	ssyncadd.s32 $0xFFFF8000  }
0x54: {  	s7 =	sand.u32 $0x1, s7;
	p2 =	seq.s32 s24, $0x64;
	_ =	strace $0x9000004B  }
.Ltmp0:
0x55: {  	s9 =	sor.u32 $0x4, s7;
	_ =	strace @!p1 $0x8000004C;
	(pc) =	sbr.rel @p3 .LBB2_2-.Ltmp0, $4  }
0x56: {  	[hbm4b:s10+s15] =	stream.linear.scatter @!p1 [tilespmem:s14], [sflag:s31], $0x8000, $0x200038;
	[tilespmem:$0x12140] =	vst v63  }
0x57: {  	s24 =	simm.s32 @p2 $0x0;
	s31 =	sor.u32 $0x2, s11;
	_ =	strace @!p1 $0x9000004C  }
0x58: {  	p2 =	sne.s32 s3, s24;
	p1 =	seq.s32 s3, s24;
	_ =	strace $0x8000004D  }
0x59: {  	s14 =	sand.u32 @!p1 $0x1, s29;
	s3 =	sadd.s32 @!p1 s6, s24;
	_ =	swait.ge [sflag:s9], $0x8000  }
0x5a: {  	s3 =	sshll.u32 @!p1 s3, $0x5;
	[sflag:s9] =	ssyncset.done $0x0  }
0x5b: {  	s7 =	sshll.u32 @!p1 s14, $0x8;
	s10 =	sor.u32 @!p1 $0x2, s14;
	[sflag:s9] =	ssyncadd.s32 $0xFFFF8000  }
0x5c: {  	s3 =	sand.u32 @!p1 $0x1FFFFFE0, s3;
	s9 =	simm.s32 @!p1 $0x0;
	_ =	strace $0x9000004D  }
0x5d: {  	s7 =	sadd.s32 @!p1 $0x1F40, s7;
	s3 =	sadd.s32 @!p1 s5, s3;
	_ =	strace @!p1 $0x80000049  }
0x5e: {  	[tilespmem:s7], [sflag:s10] =	stream.linear.gather @!p1 [hbm4b:s3+s9], $0x100, $0x200038;
	[tilespmem:$0x12140] =	vst v63  }
0x5f: {  	_ =	strace @!p1 $0x90000049  }
0x60: {  	_ =	strace $0x8000004A  }
0x61: {  	_ =	swait.ge [sflag:s31], $0x100  }
0x62: {  	[sflag:s31] =	ssyncset.done $0x0  }
0x63: {  	s3 =	sand.u32 $0x1, s30;
	[sflag:s31] =	ssyncadd.s32 $0xFFFFFF00  }
0x64: {  	s10 =	sshll.u32 s3, $0xF;
	_ =	strace $0x9000004A  }
0x65: {  	s11 =	sadd.s32 $0x1F40, s28;
	s7 =	sor.u32 $0x2140, s10;
	_ =	strace $0x8000004B  }
0x66: {  	[tilespmem:s7], [sflag:$0x6] =	stream.indirect.gather [spmem:s2], $0x80, s11, s16, $0x2000b8;
	[tilespmem:$0x12140] =	vst v63  }
0x67: {  	_ =	swait.ge [sflag:s18], $0x8000  }
0x68: {  	[sflag:s18] =	ssyncset.done $0x0  }
0x69: {  	s0 =	sshll.u32 @!p1 s0, $0xC;
	[sflag:s18] =	ssyncadd.s32 $0xFFFF8000  }
0x6a: {  	s0 =	sand.u32 @!p1 $0x1FFFF000, s0;
	_ =	strace $0x9000004B  }
0x6b: {  	s0 =	sadd.s32 @!p1 s1, s0;
	s3 =	sor.u32 @!p1 $0x4, s3;
	_ =	strace @!p1 $0x8000004C  }
0x6c: {  	[hbm4b:s0+s9] =	stream.linear.scatter @!p1 [tilespmem:s7], [sflag:s3], $0x8000, $0x200038;
	[tilespmem:$0x12140] =	vst v63  }
0x6d: {  	s14 =	sand.u32 $0x1, s23;
	_ =	strace @!p1 $0x9000004C  }
0x6e: {  	s0 =	sor.u32 $0x4, s14;
	_ =	strace $0x8000004D  }
0x6f: {  	s3 =	simm.s32 $0x1;
	_ =	swait.ge [sflag:s0], $0x8000  }
0x70: {  	s3 =	simm.s32 @!p2 $0x0;
	[sflag:s0] =	ssyncset.done $0x0  }
0x71: {  	s15 =	sadd.s32 s3, s26;
	[sflag:s0] =	ssyncadd.s32 $0xFFFF8000  }
0x72: {  	s23 =	sand.u32 $0x1, s15;
	_ =	strace $0x9000004D  }
0x73: {  	s0 =	sor.u32 $0x2, s23;
	_ =	strace $0x8000004A  }
0x74: {  	_ =	swait.ge [sflag:s0], $0x100  }
0x75: {  	s3 =	sadd.s32 s3, s25;
	[sflag:s0] =	ssyncset.done $0x0  }
0x76: {  	s25 =	sand.u32 $0x1, s3;
	s26 =	sshll.u32 s15, $0x8;
	[sflag:s0] =	ssyncadd.s32 $0xFFFFFF00  }
0x77: {  	s28 =	sshll.u32 s25, $0xF;
	s3 =	sand.u32 $0x100, s26;
	_ =	strace $0x9000004A  }
0x78: {  	s7 =	sor.u32 $0x2140, s28;
	s3 =	sadd.s32 $0x1F40, s3;
	_ =	strace $0x8000004B  }
0x79: {  	[tilespmem:s7], [sflag:$0x6] =	stream.indirect.gather [spmem:s2], $0x80, s3, s16, $0x2000b8;
	[tilespmem:$0x12140] =	vst v63  }
0x7a: {  	_ =	swait.ge [sflag:s18], $0x8000  }
0x7b: {  	s29 =	sadd.s32 s6, s24;
	[sflag:s18] =	ssyncset.done $0x0  }
0x7c: {  	s3 =	sshll.u32 s29, $0xC;
	[sflag:s18] =	ssyncadd.s32 $0xFFFF8000  }
0x7d: {  	s3 =	sand.u32 $0x1FFFF000, s3;
	_ =	strace $0x9000004B  }
0x7e: {  	s0 =	sor.u32 $0x4, s25;
	s3 =	sadd.s32 s1, s3;
	_ =	strace $0x8000004C  }
0x7f: {  	[hbm4b:s3+s4] =	stream.linear.scatter [tilespmem:s7], [sflag:s0], $0x8000, $0x200038;
	[tilespmem:$0x12140] =	vst v63  }
0x80: {  	s30 =	sand.u32 $0x1, s22;
	_ =	strace $0x9000004C  }
0x81: {  	s0 =	sor.u32 $0x4, s30;
	_ =	strace $0x8000004D  }
0x82: {  	_ =	swait.ge [sflag:s0], $0x8000  }
0x83: {  	[sflag:s0] =	ssyncset.done $0x0  }
0x84: {  	[sflag:s0] =	ssyncadd.s32 $0xFFFF8000  }
0x85: {  	_ =	strace $0x9000004D  }
0x86: {  	_ =	strace $0x8000004E  }
0x87: {  	_ =	swait.ge [sflag:s20], $0x8000  }
0x88: {  	s21 =	sadd.s32 $0x1, s21;
	s31 =	rddreg [dreg:$0x6]  }
0x89: {  	p1 =	sne.s32 s21, s31  }
.Ltmp1:
0x8a: {  	_ = 	snop;
	(pc) =	sbr.rel @p1 .LBB2_1-.Ltmp1, $4  }
0x8b: {  	_ = 	snop  }
0x8c: {  	[sflag:s20] =	ssyncset.done $0x0  }
0x8d: {  	[sflag:s20] =	ssyncadd.s32 $0xFFFF8000  }
0x8e: {  	_ =	strace $0x9000004E  }
0x8f: {  	_ =	sfence.sel $0x180000  }
0x90: {  	[bflag:$0x0] =	sbarrier.arrive $0xFFFF  }
0x91: {  	_ =	strace $0x90000047  }
0x92: {  	s0 =	stileid.u32;
	[bflag:$0x2] =	sbarrier.arrive $0xFFFF  }
0x93: {  	p0 =	sne.s32 s0, $0x0;
	s0 =	rddreg [dreg:$0x4]  }
0x94: {  	s0 =	sadd.s32 @!p0 $0x100000, s0  }
0x95: {  	[sflag:s0] =	ssyncadd.tile.s32 @!p0 $0x1;
	_ =	shalt  }
.Lfunc_end2:
_tile_overlayer_lowered:
.L_overlay_start_2:
0x96: {  	(tag) =	ssettag $0x2  }
0x97: {  	s0 =	rddreg [dreg:$0x0];
	s2 =	stileid.u32  }
0x98: {  	s1 =	rddreg [dreg:$0x1];
	p0 =	sne.s32 s2, $0x0  }
0x99: {  	s3 =	rddreg [dreg:$0x2];
	[bflag:$0x3] =	sbarrier.arrive $0xFFFF;
	s2 =	simm.s32 @!p0 $0x1C02  }
0x9a: {  	[timem:s3], [sflag:s2] =	dma.local @!p0 [hbm:s0], s1  }
0x9b: {  	s0 =	simm.s32 @!p0 $0x2  }
0x9c: {  	_ =	swait.ge @!p0 [sflag:s0], s1  }
0x9d: {  	s1 =	ssub.s32 @!p0 $0x0, s1;
	[sflag:s0] =	ssyncset.done @!p0 $0x0  }
0x9e: {  	[sflag:s0] =	ssyncadd.s32 @!p0 s1  }
0x9f: {  	[bflag:$0x3] =	sbarrier.arrive $0xFFFF  }
0xa0: {  	_ =	shalt  }

</sc_bundles>
